<compile_context>
chip_gen: v7x
topology: tpu7x:2x2x1
jax: 0.10.2.dev20260603
libtpu: 0.0.44.dev20260713+nightly
codegen_flags: <defaults>
</compile_context>

<pallas_src>
import functools

import jax
import jax.numpy as jnp
from jax import lax
from jax.experimental import pallas as pl
from jax.experimental.pallas import tpu as pltpu
from jax.experimental.pallas import tpu_sc as plsc

_N = 10000
_E = 320000
_D = 128
_LANES = 16
_N_PAD = 10240
_ROWS = 5120
_NS = 16
_CHUNK2 = _E // _NS
_WIN2 = 20096


def _sc_flags(eic, eib):
  mesh = plsc.VectorSubcoreMesh(core_axis_name="c", subcore_axis_name="s")

  @functools.partial(
      pl.kernel,
      mesh=mesh,
      out_type=(
          jax.ShapeDtypeStruct((_NS, _N_PAD), jnp.float32),
          jax.ShapeDtypeStruct((_NS, _N_PAD), jnp.float32),
      ),
      scratch_types=[
          pltpu.VMEM((2, _WIN2), jnp.int32),
          pltpu.VMEM((_N_PAD,), jnp.float32),
          pltpu.SemaphoreType.DMA,
      ],
      compiler_params=pltpu.CompilerParams(needs_layout_passes=False),
  )
  def k(eic_hbm, eib_hbm, fc_hbm, fb_hbm, idx_v, flag_v, sem):
    core = lax.axis_index("c")
    tid = lax.axis_index("s")
    base = tid * _CHUNK2
    s = lax.rem(base, 128)
    astart = pl.multiple_of(base - s, 128)
    ones = jnp.ones((_LANES,), jnp.float32)
    zeros = jnp.zeros((_LANES,), jnp.float32)

    def one_etype(e_hbm, f_hbm):
      cp = pltpu.async_copy(e_hbm.at[:, pl.ds(astart, _WIN2)], idx_v, sem)

      def zero_body(i, carry):
        for j in range(4):
          flag_v[pl.ds((i * 4 + j) * _LANES, _LANES)] = zeros
        return carry

      lax.fori_loop(0, _N_PAD // _LANES // 4, zero_body, 0)
      cp.wait()

      unroll = 4
      n_outer = _CHUNK2 // _LANES // unroll

      def body(i, carry):
        for j in range(unroll):
          o = pl.ds(s + (i * unroll + j) * _LANES, _LANES)
          plsc.store_scatter(flag_v, [idx_v[1, o]], ones)
        return carry

      lax.fori_loop(0, n_outer, body, 0)
      pltpu.sync_copy(flag_v, f_hbm.at[tid])

    @pl.when(core == 0)
    def _():
      one_etype(eic_hbm, fc_hbm)

    @pl.when(core == 1)
    def _():
      one_etype(eib_hbm, fb_hbm)

  return k(eic, eib)


def _tc_body(fu, fi, eu, ei, wc, bc, wb, bb, wu, bu, wi, bi, ou, oi):
  v_mc = jnp.maximum(eu[...] @ wc[...] + bc[...], 0.0)
  v_mb = jnp.maximum(ei[...] @ wb[...] + bb[...], 0.0)
  base_u = eu[...] @ wu[:_D] + bu[...]
  row_a_u = jnp.maximum(base_u + v_mb @ wu[_D:], 0.0)
  row_b_u = jnp.maximum(base_u, 0.0)
  base_i = ei[...] @ wi[:_D] + bi[...]
  row_a_i = jnp.maximum(base_i + v_mc @ wi[_D:], 0.0)
  row_b_i = jnp.maximum(base_i, 0.0)
  fu_blk = jnp.max(fu[...], axis=0)
  fi_blk = jnp.max(fi[...], axis=0)
  ou[...] = jnp.where(fu_blk[:, None] > 0.0, row_a_u, row_b_u)
  oi[...] = jnp.where(fi_blk[:, None] > 0.0, row_a_i, row_b_i)


def _tc_assemble(flags_u, flags_i, emb_u, emb_i, we_c, be_c, we_b, be_b,
                 wn_u, bn_u, wn_i, bn_i):
  full = lambda s: pl.BlockSpec(s, lambda j: (0,) * len(s))
  return pl.pallas_call(
      _tc_body,
      grid=(_N_PAD // _ROWS,),
      in_specs=[
          pl.BlockSpec((_NS, _ROWS), lambda j: (0, j)),
          pl.BlockSpec((_NS, _ROWS), lambda j: (0, j)),
          full((1, _D)), full((1, _D)),
          full((_D, _D)), full((1, _D)),
          full((_D, _D)), full((1, _D)),
          full((2 * _D, _D)), full((1, _D)),
          full((2 * _D, _D)), full((1, _D)),
      ],
      out_specs=[
          pl.BlockSpec((_ROWS, _D), lambda j: (j, 0)),
          pl.BlockSpec((_ROWS, _D), lambda j: (j, 0)),
      ],
      out_shape=[jax.ShapeDtypeStruct((_N, _D), jnp.float32)] * 2,
  )(flags_u, flags_i, emb_u, emb_i,
    we_c, be_c.reshape(1, _D), we_b, be_b.reshape(1, _D),
    wn_u, bn_u.reshape(1, _D), wn_i, bn_i.reshape(1, _D))


def kernel(edge_index_clicks, edge_index_clicked_by, emb_user, emb_item,
           We_clicks, be_clicks, We_cb, be_cb,
           Wn_user, bn_user, Wn_item, bn_item):
  eic = edge_index_clicks.astype(jnp.int32)
  eib = edge_index_clicked_by.astype(jnp.int32)
  flags_item, flags_user = _sc_flags(eic, eib)
  out_u, out_i = _tc_assemble(
      flags_user, flags_item, emb_user, emb_item,
      We_clicks, be_clicks, We_cb, be_cb,
      Wn_user, bn_user, Wn_item, bn_item)
  return out_u, out_i

# --- scband reference (transcript-rebuilt; emitter-appended) ---
"""Pipeline reference for scband-hetero-gcn-10136122819184 (READ-ONLY COPY).

The authoritative reference and input builder live on the scoring server;
editing this copy changes nothing except your own understanding.
"""

import jax, jax.numpy as jnp
import numpy as np

N_USER = 10000
N_ITEM = 10000
E = 320000
D = 128


def setup_inputs(seed: int = 0) -> dict:
    key = jax.random.key(seed)
    ks = jax.random.split(key, 12)
    # edges: clicks (user -> item), clicked_by (item -> user)
    edge_index_clicks = jax.random.randint(ks[0], (2, E), 0, N_USER, dtype=jnp.int64) % jnp.array([[N_USER], [N_ITEM]], dtype=jnp.int64)
    edge_index_clicked_by = jax.random.randint(ks[1], (2, E), 0, N_ITEM, dtype=jnp.int64) % jnp.array([[N_ITEM], [N_USER]], dtype=jnp.int64)
    # learned per-ntype initial embeddings (tiled across nodes in forward)
    emb_user = jax.random.normal(ks[2], (1, D), dtype=jnp.float32)
    emb_item = jax.random.normal(ks[3], (1, D), dtype=jnp.float32)
    # edge-type Dense(relu) layers: input = src 'h' (D) -> units D
    We_clicks = jax.random.normal(ks[4], (D, D), dtype=jnp.float32) * 0.05
    be_clicks = jnp.zeros((D,), dtype=jnp.float32)
    We_cb = jax.random.normal(ks[5], (D, D), dtype=jnp.float32) * 0.05
    be_cb = jnp.zeros((D,), dtype=jnp.float32)
    # node-type Dense(relu) layers: input = concat([h (D), stacked-mean message (D)]) -> units D
    Wn_user = jax.random.normal(ks[6], (2 * D, D), dtype=jnp.float32) * 0.05
    bn_user = jnp.zeros((D,), dtype=jnp.float32)
    Wn_item = jax.random.normal(ks[7], (2 * D, D), dtype=jnp.float32) * 0.05
    bn_item = jnp.zeros((D,), dtype=jnp.float32)
    return {
        "edge_index_clicks": edge_index_clicks,
        "edge_index_clicked_by": edge_index_clicked_by,
        "emb_user": emb_user,
        "emb_item": emb_item,
        "We_clicks": We_clicks,
        "be_clicks": be_clicks,
        "We_cb": We_cb,
        "be_cb": be_cb,
        "Wn_user": Wn_user,
        "bn_user": bn_user,
        "Wn_item": Wn_item,
        "bn_item": bn_item,
    }


def _mean_reduce(msg, dst, num_segments):
    s = jax.ops.segment_sum(msg, dst, num_segments=num_segments)
    cnt = jax.ops.segment_sum(jnp.ones((msg.shape[0],), dtype=msg.dtype), dst, num_segments=num_segments)
    return s / jnp.maximum(cnt, 1.0)[:, None]


def reference(edge_index_clicks, edge_index_clicked_by, emb_user, emb_item,
              We_clicks, be_clicks, We_cb, be_cb,
              Wn_user, bn_user, Wn_item, bn_item):
    # initial_node_embeddings: tile learned per-ntype embedding
    h_user = jnp.tile(emb_user, (N_USER, 1))
    h_item = jnp.tile(emb_item, (N_ITEM, 1))

    # etype (user, clicks, item): message = Dense_relu(src h), reduce = mean over dst item
    src_c = edge_index_clicks[0]
    dst_c = edge_index_clicks[1]
    msg_c = jax.nn.relu(h_user[src_c] @ We_clicks + be_clicks)
    m_item = _mean_reduce(msg_c, dst_c, N_ITEM)

    # etype (item, clicked_by, user): message = Dense_relu(src h), reduce = mean over dst user
    src_b = edge_index_clicked_by[0]
    dst_b = edge_index_clicked_by[1]
    msg_b = jax.nn.relu(h_item[src_b] @ We_cb + be_cb)
    m_user = _mean_reduce(msg_b, dst_b, N_USER)

    # apply_node_func: concat([h, squeezed stacked message]) -> Dense(relu) per ntype
    out_user = jax.nn.relu(jnp.concatenate([h_user, m_user], axis=1) @ Wn_user + bn_user)
    out_item = jax.nn.relu(jnp.concatenate([h_item, m_item], axis=1) @ Wn_item + bn_item)
    return (out_user, out_item)

if __name__ == "__main__":
    import jax
    _d = setup_inputs()
    print(jax.jit(kernel)(*tuple(_d.values())))

</pallas_src>

<mosaic_0001>
#map = affine_map<(d0, d1) -> (0, 0)>
module attributes {stable_mosaic.version = 14 : i64} {
  func.func @k(%arg0: i32, %arg1: i32, %arg2: memref<2x320000xi32, #tpu.memory_space<hbm>>, %arg3: memref<2x320000xi32, #tpu.memory_space<hbm>>, %arg4: memref<16x10240xf32, #tpu.memory_space<hbm>>, %arg5: memref<16x10240xf32, #tpu.memory_space<hbm>>, %arg6: memref<2x20096xi32, #tpu.memory_space<vmem>>, %arg7: memref<10240xf32, #tpu.memory_space<vmem>>, %arg8: memref<!tpu.dma_semaphore, #tpu.memory_space<semaphore_mem>>) attributes {dimension_semantics = [#tpu.dimension_semantics<core_parallel>, #tpu.dimension_semantics<subcore_parallel>], iteration_bounds = array<i64: 2, 16>, scalar_prefetch = 0 : i64, scratch_operands = 3 : i64, tpu.core_type = #tpu.core_type<sc_vector_subcore>, window_params = [{transform_indices = #map}, {transform_indices = #map}, {transform_indices = #map}, {transform_indices = #map}]} {
    %mul3A = arith.constant 20000 : i32
    %mul3A_0 = arith.muli %arg1, %mul3A : i32
    %rem3A = arith.constant 128 : i32
    %rem3A_1 = arith.remsi %mul3A_0, %rem3A : i32
    %sub3A = arith.subi %mul3A_0, %rem3A_1 : i32
    %multiple_of3A = tpu.assume_multiple %sub3A, 128 : i32
    %broadcast_in_dim3A = arith.constant 1.000000e+00 : f32
    %broadcast_in_dim3A_2 = vector.broadcast %broadcast_in_dim3A : f32 to vector<16xf32>
    %broadcast_in_dim3A_3 = arith.constant 0.000000e+00 : f32
    %broadcast_in_dim3A_4 = vector.broadcast %broadcast_in_dim3A_3 : f32 to vector<16xf32>
    %eq3A = arith.constant 0 : i32
    %eq3A_5 = arith.cmpi eq, %arg0, %eq3A : i32
    %convert_element_type3A = arith.extui %eq3A_5 : i1 to i32
    %cond3A = arith.constant 0 : i32
    %cond3A_6 = arith.cmpi ne, %convert_element_type3A, %cond3A : i32
    scf.if %cond3A_6 {
      %dma_start3A = arith.constant 0 : i32
      %dma_start3A_12 = tpu.memref_slice %arg2[%dma_start3A, %multiple_of3A] : memref<2x320000xi32, #tpu.memory_space<hbm>> -> memref<2x20096xi32, #tpu.memory_space<hbm>>
      %dma_start3A_13 = arith.constant 0 : i32
      %dma_start3A_14 = tpu.memref_slice %arg2[%dma_start3A_13, %multiple_of3A] : memref<2x320000xi32, #tpu.memory_space<hbm>> -> memref<2x20096xi32, #tpu.memory_space<hbm>>
      tpu.enqueue_dma source(%dma_start3A_14 : memref<2x20096xi32, #tpu.memory_space<hbm>>) target(%arg6 : memref<2x20096xi32, #tpu.memory_space<vmem>>) target_semaphore(%arg8 : memref<!tpu.dma_semaphore, #tpu.memory_space<semaphore_mem>>)
      %scan3A = arith.constant 0 : i32
      %scan3A_15 = arith.constant 0 : i32
      %scan3A_16 = arith.constant 160 : i32
      %scan3A_17 = arith.addi %scan3A_15, %scan3A_16 : i32
      %scan3A_18 = arith.constant 1 : i32
      scf.for %scan3A_29 = %scan3A_15 to %scan3A_17 step %scan3A_18  : i32 {
        %mul3A_30 = arith.constant 4 : i32
        %mul3A_31 = arith.muli %scan3A_29, %mul3A_30 : i32
        %add3A = arith.constant 0 : i32
        %add3A_32 = arith.addi %mul3A_31, %add3A : i32
        %mul3A_33 = arith.constant 16 : i32
        %mul3A_34 = arith.muli %add3A_32, %mul3A_33 : i32
        %swap3A = arith.index_cast %mul3A_34 : i32 to index
        %swap3A_35 = tpu.vector_load %arg7[%swap3A] {strides = array<i32>} : memref<10240xf32, #tpu.memory_space<vmem>>, vector<16xf32>,
        tpu.vector_store %arg7[%swap3A], %broadcast_in_dim3A_4 {strides = array<i32>} : memref<10240xf32, #tpu.memory_space<vmem>>, vector<16xf32>,
        %mul3A_36 = arith.constant 4 : i32
        %mul3A_37 = arith.muli %scan3A_29, %mul3A_36 : i32
        %add3A_38 = arith.constant 1 : i32
        %add3A_39 = arith.addi %mul3A_37, %add3A_38 : i32
        %mul3A_40 = arith.constant 16 : i32
        %mul3A_41 = arith.muli %add3A_39, %mul3A_40 : i32
        %swap3A_42 = arith.index_cast %mul3A_41 : i32 to index
        %swap3A_43 = tpu.vector_load %arg7[%swap3A_42] {strides = array<i32>} : memref<10240xf32, #tpu.memory_space<vmem>>, vector<16xf32>,
        tpu.vector_store %arg7[%swap3A_42], %broadcast_in_dim3A_4 {strides = array<i32>} : memref<10240xf32, #tpu.memory_space<vmem>>, vector<16xf32>,
        %mul3A_44 = arith.constant 4 : i32
        %mul3A_45 = arith.muli %scan3A_29, %mul3A_44 : i32
        %add3A_46 = arith.constant 2 : i32
        %add3A_47 = arith.addi %mul3A_45, %add3A_46 : i32
        %mul3A_48 = arith.constant 16 : i32
        %mul3A_49 = arith.muli %add3A_47, %mul3A_48 : i32
        %swap3A_50 = arith.index_cast %mul3A_49 : i32 to index
        %swap3A_51 = tpu.vector_load %arg7[%swap3A_50] {strides = array<i32>} : memref<10240xf32, #tpu.memory_space<vmem>>, vector<16xf32>,
        tpu.vector_store %arg7[%swap3A_50], %broadcast_in_dim3A_4 {strides = array<i32>} : memref<10240xf32, #tpu.memory_space<vmem>>, vector<16xf32>,
        %mul3A_52 = arith.constant 4 : i32
        %mul3A_53 = arith.muli %scan3A_29, %mul3A_52 : i32
        %add3A_54 = arith.constant 3 : i32
        %add3A_55 = arith.addi %mul3A_53, %add3A_54 : i32
        %mul3A_56 = arith.constant 16 : i32
        %mul3A_57 = arith.muli %add3A_55, %mul3A_56 : i32
        %swap3A_58 = arith.index_cast %mul3A_57 : i32 to index
        %swap3A_59 = tpu.vector_load %arg7[%swap3A_58] {strides = array<i32>} : memref<10240xf32, #tpu.memory_space<vmem>>, vector<16xf32>,
        tpu.vector_store %arg7[%swap3A_58], %broadcast_in_dim3A_4 {strides = array<i32>} : memref<10240xf32, #tpu.memory_space<vmem>>, vector<16xf32>,
      }
      %scan3A_19 = arith.constant 160 : i32
      %dma_wait3A = arith.constant 0 : i32
      %dma_wait3A_20 = tpu.memref_slice %arg2[%dma_wait3A, %multiple_of3A] : memref<2x320000xi32, #tpu.memory_space<hbm>> -> memref<2x20096xi32, #tpu.memory_space<hbm>>
      %dma_wait3A_21 = arith.constant 0 : i32
      %dma_wait3A_22 = tpu.memref_slice %arg2[%dma_wait3A_21, %multiple_of3A] : memref<2x320000xi32, #tpu.memory_space<hbm>> -> memref<2x20096xi32, #tpu.memory_space<hbm>>
      tpu.wait_dma2 semaphore(%arg8 : memref<!tpu.dma_semaphore, #tpu.memory_space<semaphore_mem>>) src(%dma_wait3A_22 : memref<2x20096xi32, #tpu.memory_space<hbm>>) dst(%arg6 : memref<2x20096xi32, #tpu.memory_space<vmem>>)
      %scan3A_23 = arith.constant 0 : i32
      %scan3A_24 = arith.constant 0 : i32
      %scan3A_25 = arith.constant 312 : i32
      %scan3A_26 = arith.addi %scan3A_24, %scan3A_25 : i32
      %scan3A_27 = arith.constant 1 : i32
      scf.for %scan3A_29 = %scan3A_24 to %scan3A_26 step %scan3A_27  : i32 {
        %mul3A_30 = arith.constant 4 : i32
        %mul3A_31 = arith.muli %scan3A_29, %mul3A_30 : i32
        %add3A = arith.constant 0 : i32
        %add3A_32 = arith.addi %mul3A_31, %add3A : i32
        %mul3A_33 = arith.constant 16 : i32
        %mul3A_34 = arith.muli %add3A_32, %mul3A_33 : i32
        %add3A_35 = arith.addi %rem3A_1, %mul3A_34 : i32
        %get3A = arith.constant 1 : i32
        %get3A_36 = arith.index_cast %get3A : i32 to index
        %get3A_37 = arith.index_cast %add3A_35 : i32 to index
        %get3A_38 = tpu.vector_load %arg6[%get3A_36, %get3A_37] {strides = array<i32>} : memref<2x20096xi32, #tpu.memory_space<vmem>>, vector<16xi32>,
        tpu.vector_store_idx %arg7[%get3A_38], %broadcast_in_dim3A_2 : memref<10240xf32, #tpu.memory_space<vmem>>[vector<16xi32>], vector<16xf32>,
        %mul3A_39 = arith.constant 4 : i32
        %mul3A_40 = arith.muli %scan3A_29, %mul3A_39 : i32
        %add3A_41 = arith.constant 1 : i32
        %add3A_42 = arith.addi %mul3A_40, %add3A_41 : i32
        %mul3A_43 = arith.constant 16 : i32
        %mul3A_44 = arith.muli %add3A_42, %mul3A_43 : i32
        %add3A_45 = arith.addi %rem3A_1, %mul3A_44 : i32
        %get3A_46 = arith.constant 1 : i32
        %get3A_47 = arith.index_cast %get3A_46 : i32 to index
        %get3A_48 = arith.index_cast %add3A_45 : i32 to index
        %get3A_49 = tpu.vector_load %arg6[%get3A_47, %get3A_48] {strides = array<i32>} : memref<2x20096xi32, #tpu.memory_space<vmem>>, vector<16xi32>,
        tpu.vector_store_idx %arg7[%get3A_49], %broadcast_in_dim3A_2 : memref<10240xf32, #tpu.memory_space<vmem>>[vector<16xi32>], vector<16xf32>,
        %mul3A_50 = arith.constant 4 : i32
        %mul3A_51 = arith.muli %scan3A_29, %mul3A_50 : i32
        %add3A_52 = arith.constant 2 : i32
        %add3A_53 = arith.addi %mul3A_51, %add3A_52 : i32
        %mul3A_54 = arith.constant 16 : i32
        %mul3A_55 = arith.muli %add3A_53, %mul3A_54 : i32
        %add3A_56 = arith.addi %rem3A_1, %mul3A_55 : i32
        %get3A_57 = arith.constant 1 : i32
        %get3A_58 = arith.index_cast %get3A_57 : i32 to index
        %get3A_59 = arith.index_cast %add3A_56 : i32 to index
        %get3A_60 = tpu.vector_load %arg6[%get3A_58, %get3A_59] {strides = array<i32>} : memref<2x20096xi32, #tpu.memory_space<vmem>>, vector<16xi32>,
        tpu.vector_store_idx %arg7[%get3A_60], %broadcast_in_dim3A_2 : memref<10240xf32, #tpu.memory_space<vmem>>[vector<16xi32>], vector<16xf32>,
        %mul3A_61 = arith.constant 4 : i32
        %mul3A_62 = arith.muli %scan3A_29, %mul3A_61 : i32
        %add3A_63 = arith.constant 3 : i32
        %add3A_64 = arith.addi %mul3A_62, %add3A_63 : i32
        %mul3A_65 = arith.constant 16 : i32
        %mul3A_66 = arith.muli %add3A_64, %mul3A_65 : i32
        %add3A_67 = arith.addi %rem3A_1, %mul3A_66 : i32
        %get3A_68 = arith.constant 1 : i32
        %get3A_69 = arith.index_cast %get3A_68 : i32 to index
        %get3A_70 = arith.index_cast %add3A_67 : i32 to index
        %get3A_71 = tpu.vector_load %arg6[%get3A_69, %get3A_70] {strides = array<i32>} : memref<2x20096xi32, #tpu.memory_space<vmem>>, vector<16xi32>,
        tpu.vector_store_idx %arg7[%get3A_71], %broadcast_in_dim3A_2 : memref<10240xf32, #tpu.memory_space<vmem>>[vector<16xi32>], vector<16xf32>,
      }
      %scan3A_28 = arith.constant 312 : i32
      "tpu.region"() ({
        %run_scoped3A = tpu.sem_alloc : memref<!tpu.dma_semaphore, #tpu.memory_space<semaphore_mem>>
        %dma_start3A_29 = arith.constant 0 : i32
        %dma_start3A_30 = tpu.memref_slice %arg4[%arg1, %dma_start3A_29] : memref<16x10240xf32, #tpu.memory_space<hbm>> -> memref<1x10240xf32, #tpu.memory_space<hbm>>
        %dma_start3A_31 = tpu.memref_squeeze %dma_start3A_30 : memref<1x10240xf32, #tpu.memory_space<hbm>> -> memref<10240xf32, #tpu.memory_space<hbm>>
        %dma_start3A_32 = arith.constant 0 : i32
        %dma_start3A_33 = tpu.memref_slice %arg4[%arg1, %dma_start3A_32] : memref<16x10240xf32, #tpu.memory_space<hbm>> -> memref<1x10240xf32, #tpu.memory_space<hbm>>
        %dma_start3A_34 = tpu.memref_squeeze %dma_start3A_33 : memref<1x10240xf32, #tpu.memory_space<hbm>> -> memref<10240xf32, #tpu.memory_space<hbm>>
        tpu.enqueue_dma source(%arg7 : memref<10240xf32, #tpu.memory_space<vmem>>) target(%dma_start3A_34 : memref<10240xf32, #tpu.memory_space<hbm>>) target_semaphore(%run_scoped3A : memref<!tpu.dma_semaphore, #tpu.memory_space<semaphore_mem>>)
        %dma_wait3A_35 = arith.constant 0 : i32
        %dma_wait3A_36 = tpu.memref_slice %arg4[%arg1, %dma_wait3A_35] : memref<16x10240xf32, #tpu.memory_space<hbm>> -> memref<1x10240xf32, #tpu.memory_space<hbm>>
        %dma_wait3A_37 = tpu.memref_squeeze %dma_wait3A_36 : memref<1x10240xf32, #tpu.memory_space<hbm>> -> memref<10240xf32, #tpu.memory_space<hbm>>
        %dma_wait3A_38 = arith.constant 0 : i32
        %dma_wait3A_39 = tpu.memref_slice %arg4[%arg1, %dma_wait3A_38] : memref<16x10240xf32, #tpu.memory_space<hbm>> -> memref<1x10240xf32, #tpu.memory_space<hbm>>
        %dma_wait3A_40 = tpu.memref_squeeze %dma_wait3A_39 : memref<1x10240xf32, #tpu.memory_space<hbm>> -> memref<10240xf32, #tpu.memory_space<hbm>>
        tpu.wait_dma2 semaphore(%run_scoped3A : memref<!tpu.dma_semaphore, #tpu.memory_space<semaphore_mem>>) src(%arg7 : memref<10240xf32, #tpu.memory_space<vmem>>) dst(%dma_wait3A_40 : memref<10240xf32, #tpu.memory_space<hbm>>)
        tpu.yield
      }) : () -> ()
    } else {
    }
    %eq3A_7 = arith.constant 1 : i32
    %eq3A_8 = arith.cmpi eq, %arg0, %eq3A_7 : i32
    %convert_element_type3A_9 = arith.extui %eq3A_8 : i1 to i32
    %cond3A_10 = arith.constant 0 : i32
    %cond3A_11 = arith.cmpi ne, %convert_element_type3A_9, %cond3A_10 : i32
    scf.if %cond3A_11 {
      %dma_start3A = arith.constant 0 : i32
      %dma_start3A_12 = tpu.memref_slice %arg3[%dma_start3A, %multiple_of3A] : memref<2x320000xi32, #tpu.memory_space<hbm>> -> memref<2x20096xi32, #tpu.memory_space<hbm>>
      %dma_start3A_13 = arith.constant 0 : i32
      %dma_start3A_14 = tpu.memref_slice %arg3[%dma_start3A_13, %multiple_of3A] : memref<2x320000xi32, #tpu.memory_space<hbm>> -> memref<2x20096xi32, #tpu.memory_space<hbm>>
      tpu.enqueue_dma source(%dma_start3A_14 : memref<2x20096xi32, #tpu.memory_space<hbm>>) target(%arg6 : memref<2x20096xi32, #tpu.memory_space<vmem>>) target_semaphore(%arg8 : memref<!tpu.dma_semaphore, #tpu.memory_space<semaphore_mem>>)
      %scan3A = arith.constant 0 : i32
      %scan3A_15 = arith.constant 0 : i32
      %scan3A_16 = arith.constant 160 : i32
      %scan3A_17 = arith.addi %scan3A_15, %scan3A_16 : i32
      %scan3A_18 = arith.constant 1 : i32
      scf.for %scan3A_29 = %scan3A_15 to %scan3A_17 step %scan3A_18  : i32 {
        %mul3A_30 = arith.constant 4 : i32
        %mul3A_31 = arith.muli %scan3A_29, %mul3A_30 : i32
        %add3A = arith.constant 0 : i32
        %add3A_32 = arith.addi %mul3A_31, %add3A : i32
        %mul3A_33 = arith.constant 16 : i32
        %mul3A_34 = arith.muli %add3A_32, %mul3A_33 : i32
        %swap3A = arith.index_cast %mul3A_34 : i32 to index
        %swap3A_35 = tpu.vector_load %arg7[%swap3A] {strides = array<i32>} : memref<10240xf32, #tpu.memory_space<vmem>>, vector<16xf32>,
        tpu.vector_store %arg7[%swap3A], %broadcast_in_dim3A_4 {strides = array<i32>} : memref<10240xf32, #tpu.memory_space<vmem>>, vector<16xf32>,
        %mul3A_36 = arith.constant 4 : i32
        %mul3A_37 = arith.muli %scan3A_29, %mul3A_36 : i32
        %add3A_38 = arith.constant 1 : i32
        %add3A_39 = arith.addi %mul3A_37, %add3A_38 : i32
        %mul3A_40 = arith.constant 16 : i32
        %mul3A_41 = arith.muli %add3A_39, %mul3A_40 : i32
        %swap3A_42 = arith.index_cast %mul3A_41 : i32 to index
        %swap3A_43 = tpu.vector_load %arg7[%swap3A_42] {strides = array<i32>} : memref<10240xf32, #tpu.memory_space<vmem>>, vector<16xf32>,
        tpu.vector_store %arg7[%swap3A_42], %broadcast_in_dim3A_4 {strides = array<i32>} : memref<10240xf32, #tpu.memory_space<vmem>>, vector<16xf32>,
        %mul3A_44 = arith.constant 4 : i32
        %mul3A_45 = arith.muli %scan3A_29, %mul3A_44 : i32
        %add3A_46 = arith.constant 2 : i32
        %add3A_47 = arith.addi %mul3A_45, %add3A_46 : i32
        %mul3A_48 = arith.constant 16 : i32
        %mul3A_49 = arith.muli %add3A_47, %mul3A_48 : i32
        %swap3A_50 = arith.index_cast %mul3A_49 : i32 to index
        %swap3A_51 = tpu.vector_load %arg7[%swap3A_50] {strides = array<i32>} : memref<10240xf32, #tpu.memory_space<vmem>>, vector<16xf32>,
        tpu.vector_store %arg7[%swap3A_50], %broadcast_in_dim3A_4 {strides = array<i32>} : memref<10240xf32, #tpu.memory_space<vmem>>, vector<16xf32>,
        %mul3A_52 = arith.constant 4 : i32
        %mul3A_53 = arith.muli %scan3A_29, %mul3A_52 : i32
        %add3A_54 = arith.constant 3 : i32
        %add3A_55 = arith.addi %mul3A_53, %add3A_54 : i32
        %mul3A_56 = arith.constant 16 : i32
        %mul3A_57 = arith.muli %add3A_55, %mul3A_56 : i32
        %swap3A_58 = arith.index_cast %mul3A_57 : i32 to index
        %swap3A_59 = tpu.vector_load %arg7[%swap3A_58] {strides = array<i32>} : memref<10240xf32, #tpu.memory_space<vmem>>, vector<16xf32>,
        tpu.vector_store %arg7[%swap3A_58], %broadcast_in_dim3A_4 {strides = array<i32>} : memref<10240xf32, #tpu.memory_space<vmem>>, vector<16xf32>,
      }
      %scan3A_19 = arith.constant 160 : i32
      %dma_wait3A = arith.constant 0 : i32
      %dma_wait3A_20 = tpu.memref_slice %arg3[%dma_wait3A, %multiple_of3A] : memref<2x320000xi32, #tpu.memory_space<hbm>> -> memref<2x20096xi32, #tpu.memory_space<hbm>>
      %dma_wait3A_21 = arith.constant 0 : i32
      %dma_wait3A_22 = tpu.memref_slice %arg3[%dma_wait3A_21, %multiple_of3A] : memref<2x320000xi32, #tpu.memory_space<hbm>> -> memref<2x20096xi32, #tpu.memory_space<hbm>>
      tpu.wait_dma2 semaphore(%arg8 : memref<!tpu.dma_semaphore, #tpu.memory_space<semaphore_mem>>) src(%dma_wait3A_22 : memref<2x20096xi32, #tpu.memory_space<hbm>>) dst(%arg6 : memref<2x20096xi32, #tpu.memory_space<vmem>>)
      %scan3A_23 = arith.constant 0 : i32
      %scan3A_24 = arith.constant 0 : i32
      %scan3A_25 = arith.constant 312 : i32
      %scan3A_26 = arith.addi %scan3A_24, %scan3A_25 : i32
      %scan3A_27 = arith.constant 1 : i32
      scf.for %scan3A_29 = %scan3A_24 to %scan3A_26 step %scan3A_27  : i32 {
        %mul3A_30 = arith.constant 4 : i32
        %mul3A_31 = arith.muli %scan3A_29, %mul3A_30 : i32
        %add3A = arith.constant 0 : i32
        %add3A_32 = arith.addi %mul3A_31, %add3A : i32
        %mul3A_33 = arith.constant 16 : i32
        %mul3A_34 = arith.muli %add3A_32, %mul3A_33 : i32
        %add3A_35 = arith.addi %rem3A_1, %mul3A_34 : i32
        %get3A = arith.constant 1 : i32
        %get3A_36 = arith.index_cast %get3A : i32 to index
        %get3A_37 = arith.index_cast %add3A_35 : i32 to index
        %get3A_38 = tpu.vector_load %arg6[%get3A_36, %get3A_37] {strides = array<i32>} : memref<2x20096xi32, #tpu.memory_space<vmem>>, vector<16xi32>,
        tpu.vector_store_idx %arg7[%get3A_38], %broadcast_in_dim3A_2 : memref<10240xf32, #tpu.memory_space<vmem>>[vector<16xi32>], vector<16xf32>,
        %mul3A_39 = arith.constant 4 : i32
        %mul3A_40 = arith.muli %scan3A_29, %mul3A_39 : i32
        %add3A_41 = arith.constant 1 : i32
        %add3A_42 = arith.addi %mul3A_40, %add3A_41 : i32
        %mul3A_43 = arith.constant 16 : i32
        %mul3A_44 = arith.muli %add3A_42, %mul3A_43 : i32
        %add3A_45 = arith.addi %rem3A_1, %mul3A_44 : i32
        %get3A_46 = arith.constant 1 : i32
        %get3A_47 = arith.index_cast %get3A_46 : i32 to index
        %get3A_48 = arith.index_cast %add3A_45 : i32 to index
        %get3A_49 = tpu.vector_load %arg6[%get3A_47, %get3A_48] {strides = array<i32>} : memref<2x20096xi32, #tpu.memory_space<vmem>>, vector<16xi32>,
        tpu.vector_store_idx %arg7[%get3A_49], %broadcast_in_dim3A_2 : memref<10240xf32, #tpu.memory_space<vmem>>[vector<16xi32>], vector<16xf32>,
        %mul3A_50 = arith.constant 4 : i32
        %mul3A_51 = arith.muli %scan3A_29, %mul3A_50 : i32
        %add3A_52 = arith.constant 2 : i32
        %add3A_53 = arith.addi %mul3A_51, %add3A_52 : i32
        %mul3A_54 = arith.constant 16 : i32
        %mul3A_55 = arith.muli %add3A_53, %mul3A_54 : i32
        %add3A_56 = arith.addi %rem3A_1, %mul3A_55 : i32
        %get3A_57 = arith.constant 1 : i32
        %get3A_58 = arith.index_cast %get3A_57 : i32 to index
        %get3A_59 = arith.index_cast %add3A_56 : i32 to index
        %get3A_60 = tpu.vector_load %arg6[%get3A_58, %get3A_59] {strides = array<i32>} : memref<2x20096xi32, #tpu.memory_space<vmem>>, vector<16xi32>,
        tpu.vector_store_idx %arg7[%get3A_60], %broadcast_in_dim3A_2 : memref<10240xf32, #tpu.memory_space<vmem>>[vector<16xi32>], vector<16xf32>,
        %mul3A_61 = arith.constant 4 : i32
        %mul3A_62 = arith.muli %scan3A_29, %mul3A_61 : i32
        %add3A_63 = arith.constant 3 : i32
        %add3A_64 = arith.addi %mul3A_62, %add3A_63 : i32
        %mul3A_65 = arith.constant 16 : i32
        %mul3A_66 = arith.muli %add3A_64, %mul3A_65 : i32
        %add3A_67 = arith.addi %rem3A_1, %mul3A_66 : i32
        %get3A_68 = arith.constant 1 : i32
        %get3A_69 = arith.index_cast %get3A_68 : i32 to index
        %get3A_70 = arith.index_cast %add3A_67 : i32 to index
        %get3A_71 = tpu.vector_load %arg6[%get3A_69, %get3A_70] {strides = array<i32>} : memref<2x20096xi32, #tpu.memory_space<vmem>>, vector<16xi32>,
        tpu.vector_store_idx %arg7[%get3A_71], %broadcast_in_dim3A_2 : memref<10240xf32, #tpu.memory_space<vmem>>[vector<16xi32>], vector<16xf32>,
      }
      %scan3A_28 = arith.constant 312 : i32
      "tpu.region"() ({
        %run_scoped3A = tpu.sem_alloc : memref<!tpu.dma_semaphore, #tpu.memory_space<semaphore_mem>>
        %dma_start3A_29 = arith.constant 0 : i32
        %dma_start3A_30 = tpu.memref_slice %arg5[%arg1, %dma_start3A_29] : memref<16x10240xf32, #tpu.memory_space<hbm>> -> memref<1x10240xf32, #tpu.memory_space<hbm>>
        %dma_start3A_31 = tpu.memref_squeeze %dma_start3A_30 : memref<1x10240xf32, #tpu.memory_space<hbm>> -> memref<10240xf32, #tpu.memory_space<hbm>>
        %dma_start3A_32 = arith.constant 0 : i32
        %dma_start3A_33 = tpu.memref_slice %arg5[%arg1, %dma_start3A_32] : memref<16x10240xf32, #tpu.memory_space<hbm>> -> memref<1x10240xf32, #tpu.memory_space<hbm>>
        %dma_start3A_34 = tpu.memref_squeeze %dma_start3A_33 : memref<1x10240xf32, #tpu.memory_space<hbm>> -> memref<10240xf32, #tpu.memory_space<hbm>>
        tpu.enqueue_dma source(%arg7 : memref<10240xf32, #tpu.memory_space<vmem>>) target(%dma_start3A_34 : memref<10240xf32, #tpu.memory_space<hbm>>) target_semaphore(%run_scoped3A : memref<!tpu.dma_semaphore, #tpu.memory_space<semaphore_mem>>)
        %dma_wait3A_35 = arith.constant 0 : i32
        %dma_wait3A_36 = tpu.memref_slice %arg5[%arg1, %dma_wait3A_35] : memref<16x10240xf32, #tpu.memory_space<hbm>> -> memref<1x10240xf32, #tpu.memory_space<hbm>>
        %dma_wait3A_37 = tpu.memref_squeeze %dma_wait3A_36 : memref<1x10240xf32, #tpu.memory_space<hbm>> -> memref<10240xf32, #tpu.memory_space<hbm>>
        %dma_wait3A_38 = arith.constant 0 : i32
        %dma_wait3A_39 = tpu.memref_slice %arg5[%arg1, %dma_wait3A_38] : memref<16x10240xf32, #tpu.memory_space<hbm>> -> memref<1x10240xf32, #tpu.memory_space<hbm>>
        %dma_wait3A_40 = tpu.memref_squeeze %dma_wait3A_39 : memref<1x10240xf32, #tpu.memory_space<hbm>> -> memref<10240xf32, #tpu.memory_space<hbm>>
        tpu.wait_dma2 semaphore(%run_scoped3A : memref<!tpu.dma_semaphore, #tpu.memory_space<semaphore_mem>>) src(%arg7 : memref<10240xf32, #tpu.memory_space<vmem>>) dst(%dma_wait3A_40 : memref<10240xf32, #tpu.memory_space<hbm>>)
        tpu.yield
      }) : () -> ()
    } else {
    }
    return
  }
}

module attributes {stable_mosaic.version = 14 : i64} {
  func.func @_tc_body(%arg0: i32, %arg1: memref<16x5120xf32, #tpu.memory_space<vmem>>, %arg2: memref<16x5120xf32, #tpu.memory_space<vmem>>, %arg3: memref<1x128xf32, #tpu.memory_space<vmem>>, %arg4: memref<1x128xf32, #tpu.memory_space<vmem>>, %arg5: memref<128x128xf32, #tpu.memory_space<vmem>>, %arg6: memref<1x128xf32, #tpu.memory_space<vmem>>, %arg7: memref<128x128xf32, #tpu.memory_space<vmem>>, %arg8: memref<1x128xf32, #tpu.memory_space<vmem>>, %arg9: memref<256x128xf32, #tpu.memory_space<vmem>>, %arg10: memref<1x128xf32, #tpu.memory_space<vmem>>, %arg11: memref<256x128xf32, #tpu.memory_space<vmem>>, %arg12: memref<1x128xf32, #tpu.memory_space<vmem>>, %arg13: memref<5120x128xf32, #tpu.memory_space<vmem>>, %arg14: memref<5120x128xf32, #tpu.memory_space<vmem>>) attributes {dimension_semantics = [#tpu.dimension_semantics<arbitrary>], iteration_bounds = array<i64: 2>, scalar_prefetch = 0 : i64, scratch_operands = 0 : i64, tpu.core_type = #tpu.core_type<tc>, window_params = [{transform_indices = @transform_0, window_bounds = array<i64: 16, 5120>}, {transform_indices = @transform_1, window_bounds = array<i64: 16, 5120>}, {pipeline_mode = #tpu.pipeline_mode<synchronous>, transform_indices = @transform_2, window_bounds = array<i64: 1, 128>}, {pipeline_mode = #tpu.pipeline_mode<synchronous>, transform_indices = @transform_3, window_bounds = array<i64: 1, 128>}, {pipeline_mode = #tpu.pipeline_mode<synchronous>, transform_indices = @transform_4, window_bounds = array<i64: 128, 128>}, {pipeline_mode = #tpu.pipeline_mode<synchronous>, transform_indices = @transform_5, window_bounds = array<i64: 1, 128>}, {pipeline_mode = #tpu.pipeline_mode<synchronous>, transform_indices = @transform_6, window_bounds = array<i64: 128, 128>}, {pipeline_mode = #tpu.pipeline_mode<synchronous>, transform_indices = @transform_7, window_bounds = array<i64: 1, 128>}, {pipeline_mode = #tpu.pipeline_mode<synchronous>, transform_indices = @transform_8, window_bounds = array<i64: 256, 128>}, {pipeline_mode = #tpu.pipeline_mode<synchronous>, transform_indices = @transform_9, window_bounds = array<i64: 1, 128>}, {pipeline_mode = #tpu.pipeline_mode<synchronous>, transform_indices = @transform_10, window_bounds = array<i64: 256, 128>}, {pipeline_mode = #tpu.pipeline_mode<synchronous>, transform_indices = @transform_11, window_bounds = array<i64: 1, 128>}, {transform_indices = @transform_12, window_bounds = array<i64: 5120, 128>}, {transform_indices = @transform_13, window_bounds = array<i64: 5120, 128>}]} {
    %get3A = arith.constant 0 : index
    %get3A_0 = arith.constant 0 : index
    %get3A_1 = vector.load %arg3[%get3A, %get3A_0] : memref<1x128xf32, #tpu.memory_space<vmem>>, vector<1x128xf32>
    %get3A_2 = arith.constant 0 : index
    %get3A_3 = arith.constant 0 : index
    %get3A_4 = vector.load %arg5[%get3A_2, %get3A_3] : memref<128x128xf32, #tpu.memory_space<vmem>>, vector<128x128xf32>
    %dot_general3A = arith.constant dense<0.000000e+00> : vector<1x128xf32>
    %dot_general3A_5 = tpu.matmul %get3A_1, %get3A_4, %dot_general3A {dimension_numbers = #tpu.dot_dimension_numbers<[1], [0], [0], [1], [0, 0, 1, 1], [], []>, transpose_lhs_hint = false} : vector<1x128xf32>, vector<128x128xf32>, vector<1x128xf32> -> vector<1x128xf32>
    %get3A_6 = arith.constant 0 : index
    %get3A_7 = arith.constant 0 : index
    %get3A_8 = vector.load %arg6[%get3A_6, %get3A_7] : memref<1x128xf32, #tpu.memory_space<vmem>>, vector<1x128xf32>
    %add3A = arith.addf %dot_general3A_5, %get3A_8 : vector<1x128xf32>
    %max3A = arith.constant 0.000000e+00 : f32
    %max3A_9 = vector.broadcast %max3A : f32 to vector<1x128xf32>
    %max3A_10 = arith.maximumf %add3A, %max3A_9 : vector<1x128xf32>
    %get3A_11 = arith.constant 0 : index
    %get3A_12 = arith.constant 0 : index
    %get3A_13 = vector.load %arg4[%get3A_11, %get3A_12] : memref<1x128xf32, #tpu.memory_space<vmem>>, vector<1x128xf32>
    %get3A_14 = arith.constant 0 : index
    %get3A_15 = arith.constant 0 : index
    %get3A_16 = vector.load %arg7[%get3A_14, %get3A_15] : memref<128x128xf32, #tpu.memory_space<vmem>>, vector<128x128xf32>
    %dot_general3A_17 = arith.constant dense<0.000000e+00> : vector<1x128xf32>
    %dot_general3A_18 = tpu.matmul %get3A_13, %get3A_16, %dot_general3A_17 {dimension_numbers = #tpu.dot_dimension_numbers<[1], [0], [0], [1], [0, 0, 1, 1], [], []>, transpose_lhs_hint = false} : vector<1x128xf32>, vector<128x128xf32>, vector<1x128xf32> -> vector<1x128xf32>
    %get3A_19 = arith.constant 0 : index
    %get3A_20 = arith.constant 0 : index
    %get3A_21 = vector.load %arg8[%get3A_19, %get3A_20] : memref<1x128xf32, #tpu.memory_space<vmem>>, vector<1x128xf32>
    %add3A_22 = arith.addf %dot_general3A_18, %get3A_21 : vector<1x128xf32>
    %max3A_23 = arith.constant 0.000000e+00 : f32
    %max3A_24 = vector.broadcast %max3A_23 : f32 to vector<1x128xf32>
    %max3A_25 = arith.maximumf %add3A_22, %max3A_24 : vector<1x128xf32>
    %get3A_26 = arith.constant 0 : index
    %get3A_27 = arith.constant 0 : index
    %get3A_28 = vector.load %arg3[%get3A_26, %get3A_27] : memref<1x128xf32, #tpu.memory_space<vmem>>, vector<1x128xf32>
    %get3A_29 = arith.constant 0 : index
    %get3A_30 = arith.constant 0 : index
    %get3A_31 = vector.load %arg9[%get3A_29, %get3A_30] : memref<256x128xf32, #tpu.memory_space<vmem>>, vector<128x128xf32>
    %dot_general3A_32 = arith.constant dense<0.000000e+00> : vector<1x128xf32>
    %dot_general3A_33 = tpu.matmul %get3A_28, %get3A_31, %dot_general3A_32 {dimension_numbers = #tpu.dot_dimension_numbers<[1], [0], [0], [1], [0, 0, 1, 1], [], []>, transpose_lhs_hint = false} : vector<1x128xf32>, vector<128x128xf32>, vector<1x128xf32> -> vector<1x128xf32>
    %get3A_34 = arith.constant 0 : index
    %get3A_35 = arith.constant 0 : index
    %get3A_36 = vector.load %arg10[%get3A_34, %get3A_35] : memref<1x128xf32, #tpu.memory_space<vmem>>, vector<1x128xf32>
    %add3A_37 = arith.addf %dot_general3A_33, %get3A_36 : vector<1x128xf32>
    %get3A_38 = arith.constant 128 : index
    %get3A_39 = arith.constant 0 : index
    %get3A_40 = vector.load %arg9[%get3A_38, %get3A_39] : memref<256x128xf32, #tpu.memory_space<vmem>>, vector<128x128xf32>
    %dot_general3A_41 = arith.constant dense<0.000000e+00> : vector<1x128xf32>
    %dot_general3A_42 = tpu.matmul %max3A_25, %get3A_40, %dot_general3A_41 {dimension_numbers = #tpu.dot_dimension_numbers<[1], [0], [0], [1], [0, 0, 1, 1], [], []>, transpose_lhs_hint = false} : vector<1x128xf32>, vector<128x128xf32>, vector<1x128xf32> -> vector<1x128xf32>
    %add3A_43 = arith.addf %add3A_37, %dot_general3A_42 : vector<1x128xf32>
    %max3A_44 = arith.constant 0.000000e+00 : f32
    %max3A_45 = vector.broadcast %max3A_44 : f32 to vector<1x128xf32>
    %max3A_46 = arith.maximumf %add3A_43, %max3A_45 : vector<1x128xf32>
    %max3A_47 = arith.constant 0.000000e+00 : f32
    %max3A_48 = vector.broadcast %max3A_47 : f32 to vector<1x128xf32>
    %max3A_49 = arith.maximumf %add3A_37, %max3A_48 : vector<1x128xf32>
    %get3A_50 = arith.constant 0 : index
    %get3A_51 = arith.constant 0 : index
    %get3A_52 = vector.load %arg4[%get3A_50, %get3A_51] : memref<1x128xf32, #tpu.memory_space<vmem>>, vector<1x128xf32>
    %get3A_53 = arith.constant 0 : index
    %get3A_54 = arith.constant 0 : index
    %get3A_55 = vector.load %arg11[%get3A_53, %get3A_54] : memref<256x128xf32, #tpu.memory_space<vmem>>, vector<128x128xf32>
    %dot_general3A_56 = arith.constant dense<0.000000e+00> : vector<1x128xf32>
    %dot_general3A_57 = tpu.matmul %get3A_52, %get3A_55, %dot_general3A_56 {dimension_numbers = #tpu.dot_dimension_numbers<[1], [0], [0], [1], [0, 0, 1, 1], [], []>, transpose_lhs_hint = false} : vector<1x128xf32>, vector<128x128xf32>, vector<1x128xf32> -> vector<1x128xf32>
    %get3A_58 = arith.constant 0 : index
    %get3A_59 = arith.constant 0 : index
    %get3A_60 = vector.load %arg12[%get3A_58, %get3A_59] : memref<1x128xf32, #tpu.memory_space<vmem>>, vector<1x128xf32>
    %add3A_61 = arith.addf %dot_general3A_57, %get3A_60 : vector<1x128xf32>
    %get3A_62 = arith.constant 128 : index
    %get3A_63 = arith.constant 0 : index
    %get3A_64 = vector.load %arg11[%get3A_62, %get3A_63] : memref<256x128xf32, #tpu.memory_space<vmem>>, vector<128x128xf32>
    %dot_general3A_65 = arith.constant dense<0.000000e+00> : vector<1x128xf32>
    %dot_general3A_66 = tpu.matmul %max3A_10, %get3A_64, %dot_general3A_65 {dimension_numbers = #tpu.dot_dimension_numbers<[1], [0], [0], [1], [0, 0, 1, 1], [], []>, transpose_lhs_hint = false} : vector<1x128xf32>, vector<128x128xf32>, vector<1x128xf32> -> vector<1x128xf32>
    %add3A_67 = arith.addf %add3A_61, %dot_general3A_66 : vector<1x128xf32>
    %max3A_68 = arith.constant 0.000000e+00 : f32
    %max3A_69 = vector.broadcast %max3A_68 : f32 to vector<1x128xf32>
    %max3A_70 = arith.maximumf %add3A_67, %max3A_69 : vector<1x128xf32>
    %max3A_71 = arith.constant 0.000000e+00 : f32
    %max3A_72 = vector.broadcast %max3A_71 : f32 to vector<1x128xf32>
    %max3A_73 = arith.maximumf %add3A_61, %max3A_72 : vector<1x128xf32>
    %get3A_74 = arith.constant 0 : index
    %get3A_75 = arith.constant 0 : index
    %get3A_76 = vector.load %arg1[%get3A_74, %get3A_75] : memref<16x5120xf32, #tpu.memory_space<vmem>>, vector<16x5120xf32>
    %reduce_max3A = arith.constant dense<0xFF800000> : vector<5120xf32>
    %reduce_max3A_77 = vector.multi_reduction <maximumf>, %get3A_76, %reduce_max3A [0] : vector<16x5120xf32> to vector<5120xf32>
    %get3A_78 = arith.constant 0 : index
    %get3A_79 = arith.constant 0 : index
    %get3A_80 = vector.load %arg2[%get3A_78, %get3A_79] : memref<16x5120xf32, #tpu.memory_space<vmem>>, vector<16x5120xf32>
    %reduce_max3A_81 = arith.constant dense<0xFF800000> : vector<5120xf32>
    %reduce_max3A_82 = vector.multi_reduction <maximumf>, %get3A_80, %reduce_max3A_81 [0] : vector<16x5120xf32> to vector<5120xf32>
    %broadcast_in_dim3A = vector.shape_cast %reduce_max3A_77 : vector<5120xf32> to vector<5120x1xf32>
    %gt3A = arith.constant 0.000000e+00 : f32
    %gt3A_83 = vector.broadcast %gt3A : f32 to vector<5120x1xf32>
    %gt3A_84 = arith.cmpf ogt, %broadcast_in_dim3A, %gt3A_83 : vector<5120x1xf32>
    %broadcast_in_dim3A_85 = vector.shape_cast %gt3A_84 : vector<5120x1xi1> to vector<5120x1xi1>
    %broadcast_in_dim3A_86 = vector.broadcast %broadcast_in_dim3A_85 : vector<5120x1xi1> to vector<5120x128xi1>
    %broadcast_in_dim3A_87 = vector.shape_cast %max3A_46 : vector<1x128xf32> to vector<1x128xf32>
    %broadcast_in_dim3A_88 = vector.broadcast %broadcast_in_dim3A_87 : vector<1x128xf32> to vector<5120x128xf32>
    %broadcast_in_dim3A_89 = vector.shape_cast %max3A_49 : vector<1x128xf32> to vector<1x128xf32>
    %broadcast_in_dim3A_90 = vector.broadcast %broadcast_in_dim3A_89 : vector<1x128xf32> to vector<5120x128xf32>
    %select_n3A = arith.select %broadcast_in_dim3A_86, %broadcast_in_dim3A_88, %broadcast_in_dim3A_90 : vector<5120x128xi1>, vector<5120x128xf32>
    %swap3A = arith.constant 0 : index
    %swap3A_91 = arith.constant 0 : index
    %swap3A_92 = vector.load %arg13[%swap3A, %swap3A_91] : memref<5120x128xf32, #tpu.memory_space<vmem>>, vector<5120x128xf32>
    tpu.vector_store %arg13[%swap3A, %swap3A_91], %select_n3A {strides = array<i32>} : memref<5120x128xf32, #tpu.memory_space<vmem>>, vector<5120x128xf32>,
    %broadcast_in_dim3A_93 = vector.shape_cast %reduce_max3A_82 : vector<5120xf32> to vector<5120x1xf32>
    %gt3A_94 = arith.constant 0.000000e+00 : f32
    %gt3A_95 = vector.broadcast %gt3A_94 : f32 to vector<5120x1xf32>
    %gt3A_96 = arith.cmpf ogt, %broadcast_in_dim3A_93, %gt3A_95 : vector<5120x1xf32>
    %broadcast_in_dim3A_97 = vector.shape_cast %gt3A_96 : vector<5120x1xi1> to vector<5120x1xi1>
    %broadcast_in_dim3A_98 = vector.broadcast %broadcast_in_dim3A_97 : vector<5120x1xi1> to vector<5120x128xi1>
    %broadcast_in_dim3A_99 = vector.shape_cast %max3A_70 : vector<1x128xf32> to vector<1x128xf32>
    %broadcast_in_dim3A_100 = vector.broadcast %broadcast_in_dim3A_99 : vector<1x128xf32> to vector<5120x128xf32>
    %broadcast_in_dim3A_101 = vector.shape_cast %max3A_73 : vector<1x128xf32> to vector<1x128xf32>
    %broadcast_in_dim3A_102 = vector.broadcast %broadcast_in_dim3A_101 : vector<1x128xf32> to vector<5120x128xf32>
    %select_n3A_103 = arith.select %broadcast_in_dim3A_98, %broadcast_in_dim3A_100, %broadcast_in_dim3A_102 : vector<5120x128xi1>, vector<5120x128xf32>
    %swap3A_104 = arith.constant 0 : index
    %swap3A_105 = arith.constant 0 : index
    %swap3A_106 = vector.load %arg14[%swap3A_104, %swap3A_105] : memref<5120x128xf32, #tpu.memory_space<vmem>>, vector<5120x128xf32>
    tpu.vector_store %arg14[%swap3A_104, %swap3A_105], %select_n3A_103 {strides = array<i32>} : memref<5120x128xf32, #tpu.memory_space<vmem>>, vector<5120x128xf32>,
    return
  }
  func.func @transform_0(%arg0: i32) -> (i32, i32) {
    %c0_i32 = arith.constant 0 : i32
    %c0_i32_0 = arith.constant 0 : i32
    return %c0_i32, %arg0 : i32, i32
  }
  func.func @transform_1(%arg0: i32) -> (i32, i32) {
    %c0_i32 = arith.constant 0 : i32
    %c0_i32_0 = arith.constant 0 : i32
    return %c0_i32, %arg0 : i32, i32
  }
  func.func @transform_2(%arg0: i32) -> (i32, i32) {
    %c0_i32 = arith.constant 0 : i32
    %c0_i32_0 = arith.constant 0 : i32
    %c0_i32_1 = arith.constant 0 : i32
    return %c0_i32, %c0_i32_0 : i32, i32
  }
  func.func @transform_3(%arg0: i32) -> (i32, i32) {
    %c0_i32 = arith.constant 0 : i32
    %c0_i32_0 = arith.constant 0 : i32
    %c0_i32_1 = arith.constant 0 : i32
    return %c0_i32, %c0_i32_0 : i32, i32
  }
  func.func @transform_4(%arg0: i32) -> (i32, i32) {
    %c0_i32 = arith.constant 0 : i32
    %c0_i32_0 = arith.constant 0 : i32
    %c0_i32_1 = arith.constant 0 : i32
    return %c0_i32, %c0_i32_0 : i32, i32
  }
  func.func @transform_5(%arg0: i32) -> (i32, i32) {
    %c0_i32 = arith.constant 0 : i32
    %c0_i32_0 = arith.constant 0 : i32
    %c0_i32_1 = arith.constant 0 : i32
    return %c0_i32, %c0_i32_0 : i32, i32
  }
  func.func @transform_6(%arg0: i32) -> (i32, i32) {
    %c0_i32 = arith.constant 0 : i32
    %c0_i32_0 = arith.constant 0 : i32
    %c0_i32_1 = arith.constant 0 : i32
    return %c0_i32, %c0_i32_0 : i32, i32
  }
  func.func @transform_7(%arg0: i32) -> (i32, i32) {
    %c0_i32 = arith.constant 0 : i32
    %c0_i32_0 = arith.constant 0 : i32
    %c0_i32_1 = arith.constant 0 : i32
    return %c0_i32, %c0_i32_0 : i32, i32
  }
  func.func @transform_8(%arg0: i32) -> (i32, i32) {
    %c0_i32 = arith.constant 0 : i32
    %c0_i32_0 = arith.constant 0 : i32
    %c0_i32_1 = arith.constant 0 : i32
    return %c0_i32, %c0_i32_0 : i32, i32
  }
  func.func @transform_9(%arg0: i32) -> (i32, i32) {
    %c0_i32 = arith.constant 0 : i32
    %c0_i32_0 = arith.constant 0 : i32
    %c0_i32_1 = arith.constant 0 : i32
    return %c0_i32, %c0_i32_0 : i32, i32
  }
  func.func @transform_10(%arg0: i32) -> (i32, i32) {
    %c0_i32 = arith.constant 0 : i32
    %c0_i32_0 = arith.constant 0 : i32
    %c0_i32_1 = arith.constant 0 : i32
    return %c0_i32, %c0_i32_0 : i32, i32
  }
  func.func @transform_11(%arg0: i32) -> (i32, i32) {
    %c0_i32 = arith.constant 0 : i32
    %c0_i32_0 = arith.constant 0 : i32
    %c0_i32_1 = arith.constant 0 : i32
    return %c0_i32, %c0_i32_0 : i32, i32
  }
  func.func @transform_12(%arg0: i32) -> (i32, i32) {
    %c0_i32 = arith.constant 0 : i32
    %c0_i32_0 = arith.constant 0 : i32
    return %arg0, %c0_i32 : i32, i32
  }
  func.func @transform_13(%arg0: i32) -> (i32, i32) {
    %c0_i32 = arith.constant 0 : i32
    %c0_i32_0 = arith.constant 0 : i32
    return %arg0, %c0_i32 : i32, i32
  }
}

</mosaic_0001>

<sc_bundles>
// kernel: kernel.4.cloned.1.call-start
scs
__scs_entry_jumppad:
0x0: {  	(pc) =	sbr.rel $0x88, $3  }
0x1: {  	(tag) =	ssettag $0x0;
	lr =	simm.s32 $0x1  }
0x2: {  	[smem:$0x3F95] =	sst lr;
	_ =	strace $0xD0000000  }
0x3: {  	_ = 	snop  }
0x4: {  	_ = 	snop  }
0x5: {  	_ = 	snop  }
0x6: {  	_ = 	snop  }
0x7: {  	_ = 	snop  }
__scs_overlays_trampoline_lowered:
0x8: {  	[smem:$0x3FA4] =	sst s0  }
0x9: {  	[smem:$0x3FA5] =	sst s1  }
0xa: {  	[smem:$0x3FA6] =	sst s2  }
0xb: {  	[smem:$0x3FA7] =	sst s3  }
0xc: {  	[smem:$0x3FA8] =	sst s4  }
0xd: {  	[smem:$0x3FA9] =	sst s5  }
0xe: {  	[smem:$0x3FAA] =	sst s6  }
0xf: {  	[smem:$0x3FAB] =	sst s7  }
0x10: {  	[smem:$0x3FAC] =	sst s8  }
0x11: {  	[smem:$0x3FAD] =	sst s9;
	s0 =	simm.s32 @!p0 $0x0  }
0x12: {  	s1 =	sld [smem:$0x3F93];
	s0 =	simm.s32 @p0 $0x1  }
0x13: {  	[smem:$0x3FAE] =	sst s0;
	s0 =	simm.s32 @!p1 $0x0  }
0x14: {  	s2 =	sld [smem:$0x3F92];
	s0 =	simm.s32 @p1 $0x1  }
0x15: {  	[smem:$0x3FAF] =	sst s0;
	s0 =	simm.s32 @!p2 $0x0  }
0x16: {  	s3 =	sld [smem:$0x3FDB];
	s0 =	simm.s32 @p2 $0x1  }
0x17: {  	s4 =	simm.s32 $0x1BF5;
	[smem:$0x3FB1] =	sst s0  }
0x18: {  	s0 =	sld [smem:$0x3F94];
	_ =	swait.ge [sflag:s4], $0x0  }
0x19: {  	s7 =	sld [smem:$0x3F95]  }
0x1a: {  	s8 =	sadd.s32 $0xFFFFE003, lr  }
0x1b: {  	s9 =	sadd.s32 $0xFFFFFEF7, lr;
	s5 =	simm.s32 $0xFFFFFFFF;
	p2 =	slt.u32 s8, $0xFFFFF086  }
0x1c: {  	p1 =	slt.u32 s9, $0xF7A;
	s5 =	simm.s32 @!p2 $0x0  }
0x1d: {  	s5 =	simm.s32 @p1 $0x1;
	p0 =	seq.s32 s7, s2  }
0x1e: {  	s7 =	smul.u32 @!p0 $0xF7A, s2;
	p2 =	seq.s32 @!p0 s5, $0x0  }
0x1f: {  	s9 =	smul.u32 $0xF7A, s1;
	s8 =	simm.s32 @!p0 $0x1BF5;
	p2 =	por !p2, p0  }
0x20: {  	[sflag:s8] =	ssyncset.s32 @!p0 $0xFFFFF086;
	s6 =	sadd.s32 @!p0 s3, s7;
	s7 =	simm.s32 @!p0 $0x108  }
0x21: {  	s3 =	sadd.s32 s3, s9;
	s6 =	sadd.s32 @!p0 $0x88, s6;
	s7 =	simm.s32 @p2 $0x1082  }
0x22: {  	[simem:s7], [sflag:s8] =	dma.local @!p0 [hbm:s6], $0xF7A  }
0x23: {  	s9 =	sor.u32 $0xD0000000, s2;
	s6 =	simm.s32 $0x108;
	_ =	swait.ge @!p0 [sflag:s8], $0x0  }
0x24: {  	s3 =	sadd.s32 $0x88, s3;
	s6 =	simm.s32 @!p1 $0x1082;
	[sflag:s4] =	ssyncset.s32 $0xFFFFF086  }
0x25: {  	[simem:s6], [sflag:s4] =	dma.local [hbm:s3], $0xF7A  }
0x26: {  	[smem:$0x3F95] =	sst s1;
	(tag) =	ssettag s2;
	_ =	strace s9  }
0x27: {  	s1 =	sld [smem:$0x3FA5]  }
0x28: {  	s2 =	sld [smem:$0x3FA6]  }
0x29: {  	s4 =	sld [smem:$0x3FA8]  }
0x2a: {  	p0 =	seq.s32 s5, $0x0;
	s5 =	sld [smem:$0x3FA9]  }
0x2b: {  	s6 =	sld [smem:$0x3FAA]  }
0x2c: {  	s7 =	sld [smem:$0x3FAB]  }
0x2d: {  	s3 =	simm.s32 $0x108;
	s8 =	sld [smem:$0x3FAC]  }
0x2e: {  	s3 =	simm.s32 @!p0 $0x1082;
	s9 =	sld [smem:$0x3FAD]  }
0x2f: {  	lr =	sadd.s32 s0, s3;
	s0 =	sld [smem:$0x3FA4]  }
0x30: {  	s3 =	sld [smem:$0x3FA7]  }
0x31: {  	[smem:$0x3FB0] =	sst s10  }
0x32: {  	s10 =	sld [smem:$0x3FAE];
	_ =	sdelay $0x3  }
0x33: {  	p0 =	seq.s32 s10, $0x1;
	s10 =	sld [smem:$0x3FB0];
	_ =	sdelay $0x3  }
0x34: {  	[smem:$0x3FB0] =	sst s10  }
0x35: {  	s10 =	sld [smem:$0x3FAF];
	_ =	sdelay $0x3  }
0x36: {  	p1 =	seq.s32 s10, $0x1;
	s10 =	sld [smem:$0x3FB0];
	_ =	sdelay $0x3  }
0x37: {  	[smem:$0x3FB0] =	sst s10  }
0x38: {  	s10 =	sld [smem:$0x3FB1]  }
0x39: {  	_ = 	snop;
	(pc) =	sbr.ind lr, $3  }
0x3a: {  	_ = 	snop  }
0x3b: {  	_ = 	snop  }
0x3c: {  	p2 =	seq.s32 s10, $0x1;
	s10 =	sld [smem:$0x3FB0]  }
0x3d: {  	_ =	shalt  }
0x3e: {  	_ =	shalt  }
0x3f: {  	_ =	shalt  }
0x40: {  	_ =	shalt  }
0x41: {  	_ =	shalt  }
0x42: {  	_ =	shalt  }
0x43: {  	_ =	shalt  }
0x44: {  	_ =	shalt  }
0x45: {  	_ =	shalt  }
0x46: {  	_ =	shalt  }
0x47: {  	_ =	shalt  }
0x48: {  	_ =	shalt  }
0x49: {  	_ =	shalt  }
0x4a: {  	_ =	shalt  }
0x4b: {  	_ =	shalt  }
0x4c: {  	_ =	shalt  }
0x4d: {  	_ =	shalt  }
0x4e: {  	_ =	shalt  }
0x4f: {  	_ =	shalt  }
0x50: {  	_ =	shalt  }
0x51: {  	_ =	shalt  }
0x52: {  	_ =	shalt  }
0x53: {  	_ =	shalt  }
0x54: {  	_ =	shalt  }
0x55: {  	_ =	shalt  }
0x56: {  	_ =	shalt  }
0x57: {  	_ =	shalt  }
0x58: {  	_ =	shalt  }
0x59: {  	_ =	shalt  }
0x5a: {  	_ =	shalt  }
0x5b: {  	_ =	shalt  }
0x5c: {  	_ =	shalt  }
0x5d: {  	_ =	shalt  }
0x5e: {  	_ =	shalt  }
0x5f: {  	_ =	shalt  }
0x60: {  	_ =	shalt  }
0x61: {  	_ =	shalt  }
0x62: {  	_ =	shalt  }
0x63: {  	_ =	shalt  }
0x64: {  	_ =	shalt  }
0x65: {  	_ =	shalt  }
0x66: {  	_ =	shalt  }
0x67: {  	_ =	shalt  }
0x68: {  	_ =	shalt  }
0x69: {  	_ =	shalt  }
0x6a: {  	_ =	shalt  }
0x6b: {  	_ =	shalt  }
0x6c: {  	_ =	shalt  }
0x6d: {  	_ =	shalt  }
0x6e: {  	_ =	shalt  }
0x6f: {  	_ =	shalt  }
0x70: {  	_ =	shalt  }
0x71: {  	_ =	shalt  }
0x72: {  	_ =	shalt  }
0x73: {  	_ =	shalt  }
0x74: {  	_ =	shalt  }
0x75: {  	_ =	shalt  }
0x76: {  	_ =	shalt  }
0x77: {  	_ =	shalt  }
0x78: {  	_ =	shalt  }
0x79: {  	_ =	shalt  }
0x7a: {  	_ =	shalt  }
0x7b: {  	_ =	shalt  }
0x7c: {  	_ =	shalt  }
0x7d: {  	_ =	shalt  }
0x7e: {  	_ =	shalt  }
0x7f: {  	_ =	shalt  }
0x80: {  	_ =	shalt  }
0x81: {  	_ =	shalt  }
0x82: {  	_ =	shalt  }
0x83: {  	_ =	shalt  }
0x84: {  	_ =	shalt  }
0x85: {  	_ =	shalt  }
0x86: {  	_ =	shalt  }
0x87: {  	_ =	shalt  }
.Lfunc_end0:
.L_simem_size_0:
called_computation_lowered:
.L_overlay_start_0:
0x88: {  	s2 =	sld [smem:$0x3FD9]  }
0x89: {  	s3 =	sld [smem:$0x3FFE];
	_ =	sdelay $0x1  }
0x8a: {  	s1 =	srdreg.scid  }
0x8b: {  	s0 =	sand.u32 $0x1, s1  }
0x8c: {  	s15 =	sshll.u32 s0, $0xA;
	s2 =	sadd.s32 s3, s2  }
0x8d: {  	s2 =	sadd.s32 s2, s15  }
0x8e: {  	[smem:$0x3FBC] =	sst s2  }
0x8f: {  	_ = 	snop  }
0x90: {  	s2 =	sld [smem:$0x3FD0];
	_ =	sdelay $0x1  }
0x91: {  	s16 =	sld [smem:$0x3FC9]  }
0x92: {  	s5 =	simm.s32 $0xA;
	s6 =	simm.s32 $0x10;
	s4 =	sld [smem:$0x3FC8]  }
0x93: {  	[smem:s6], [sflag:s5] =	dma.local [hbm:s2], $0x1  }
0x94: {  	_ =	swait.eq [sflag:s5], $0x1  }
0x95: {  	[sflag:s5] =	ssyncset.done $0x0  }
0x96: {  	s17 =	sld [smem:$0x10];
	[sflag:s5] =	ssyncadd.s32 $0xFFFFFFFF  }
0x97: {  	s18 =	sld [smem:$0x11];
	(tm) =	ssettm $0x1  }
0x98: {  	s19 =	sld [smem:$0x3FFB];
	_ =	sdelay $0x3  }
0x99: {  	_ =	strace s19  }
0x9a: {  	s6 =	sld [smem:$0x3FFC];
	_ =	sdelay $0x3  }
0x9b: {  	_ =	strace s6  }
0x9c: {  	s6 =	sld [smem:$0x3FFD];
	_ =	sdelay $0x3  }
0x9d: {  	_ =	strace s6  }
0x9e: {  	_ =	strace $0x8FFFFFFF  }
0x9f: {  	s20 =	sld [smem:$0x3FDB];
	_ =	sdelay $0x1  }
0xa0: {  	s7 =	simm.s32 $_scs_section_size  }
0xa1: {  	s8 =	simm.s32 $_size__tile_overlayer_lowered;
	s9 =	simm.s32 $_tile_overlayer_lowered  }
0xa2: {  	s23 =	simm.s32 $0x1BFF;
	s22 =	sshll.u32 s9, $0x1;
	s6 =	sadd.s32 s7, s20  }
0xa3: {  	s10 =	simm.s32 $0x0;
	s21 =	sshll.u32 s8, $0x1;
	s8 =	sadd.s32 s22, s6  }
0xa4: {  	[timem:s10], [sflag:s23] =	dma.local [hbm:s8], s21  }
0xa5: {  	_ =	swait.ge [sflag:s23], s21  }
0xa6: {  	s7 =	ssub.s32 $0x0, s21;
	[sflag:s23] =	ssyncset.done $0x0  }
0xa7: {  	[sflag:s23] =	ssyncadd.s32 s7;
	_ =	sdelay $0x1  }
0xa8: {  	s24 =	simm.s32 $0x1B8B  }
0xa9: {  	_ =	swait.ge [sflag:s24], $0x1  }
0xaa: {  	[sflag:s24] =	ssyncset.done $0x0  }
0xab: {  	s25 =	simm.s32 $0x1B8E;
	[sflag:s24] =	ssyncadd.s32 $0xFFFFFFFF  }
0xac: {  	s26 =	simm.s32 $execute0_lowered;
	[smem:$0x3FD2] =	sst s25  }
0xad: {  	s7 =	sshll.u32 s26, $0x1;
	_ =	strace $0x80000046;
	[dreg:$0x1] =	wrdreg $0xFFFFFFFF  }
0xae: {  	s28 =	simm.s32 $_size_execute0_lowered;
	s6 =	sadd.s32 s6, s7;
	[dreg:$0x0] =	wrdreg $0x0  }
0xaf: {  	s7 =	sshll.u32 s28, $0x1;
	[dreg:$0x2] =	wrdreg s6  }
0xb0: {  	[dreg:$0x3] =	wrdreg s7  }
0xb1: {  	[dreg:$0x4] =	wrdreg $0xC0  }
0xb2: {  	_ =	task [dreg:s10], $0x5FFFF  }
0xb3: {  	[dreg:$0x1] =	wrdreg $0xFFFFFFFF  }
0xb4: {  	[dreg:$0x0] =	wrdreg $0x60  }
0xb5: {  	[dreg:$0x2] =	wrdreg s16  }
0xb6: {  	[dreg:$0x3] =	wrdreg s4  }
0xb7: {  	[dreg:$0x4] =	wrdreg s18  }
0xb8: {  	[dreg:$0x5] =	wrdreg s17  }
0xb9: {  	[dreg:$0x6] =	wrdreg $0x9  }
0xba: {  	_ =	task.clear_ibuf [dreg:s10], $0x7FFFF;
	_ =	strace $0x90000046  }
0xbb: {  	s29 =	simm.s32 $0x9;
	_ =	strace $0x80000048  }
0xbc: {  	_ =	swait.ge [sflag:s29], $0x1  }
0xbd: {  	[sflag:s29] =	ssyncadd.s32 $0xFFFFFFFF  }
0xbe: {  	_ =	strace $0x90000048  }
0xbf: {  	_ =	sfence  }
0xc0: {  	s30 =	sld [smem:$0x0];
	_ =	sdelay $0x2  }
0xc1: {  	s31 =	sshll.u32 s1, $0xD;
	s1 =	sshrl.u32 s1, $0x2  }
0xc2: {  	s3 =	sand.u32 $0x4000, s31;
	s1 =	sadd.s32 s1, s30  }
0xc3: {  	s0 =	sor.u32 s3, s0;
	s1 =	sshll.u32 s1, $0x11  }
0xc4: {  	s0 =	sor.u32 s1, s0  }
0xc5: {  	s0 =	sadd.s32 $0x8F2B, s0  }
0xc6: {  	[sflag:s0] =	ssyncadd.remote.s32 $0x1  }
0xc7: {  	_ =	sfence.sel $0xFFFF  }
0xc8: {  	[dreg:$0x0] =	wrdreg $0xFFFFFFFF;
	(pc) =	sbr.abs _section_cstart, $3  }
0xc9: {  	[dreg:$0x1] =	wrdreg $0xFFFFFFFF  }
0xca: {  	_ =	task.clear_ibuf [dreg:s10], $0x2FFFF;
	_ =	strace $0x9FFFFFFF  }
0xcb: {  	(tm) =	ssettm $0x7FFFFFFF  }
tec
execute0_lowered:
.L_overlay_start_1:
0x0: {  	(tag) =	ssettag $0x1  }
0x1: {  	s5 =	rddreg [dreg:$0x0]  }
0x2: {  	s7 =	rddreg [dreg:$0x1]  }
0x3: {  	s1 =	rddreg [dreg:$0x2]  }
0x4: {  	s2 =	rddreg [dreg:$0x3]  }
0x5: {  	s0 =	rddreg [dreg:$0x4];
	s3 =	simm.s32 $0x0;
	s4 =	srdreg.scid  }
0x6: {  	s13 =	simm.s32 $0x80;
	s14 =	simm.s32 $0x400;
	s15 =	simm.s32 $0x2  }
0x7: {  	[smem:$0x7FF] =	sst s3;
	s6 =	sand.u32 $0x1, s4;
	s4 =	stileid.u32  }
0x8: {  	_ =	strace $0x80000047;
	s8 =	ssub.s32 $0x2, s6;
	s10 =	smul.u32 $0x4E20, s4  }
0x9: {  	s11 =	sshrl.u32 s4, $0x3;
	s29 =	sshll.u32 s4, $0x7;
	p0 =	seq.s32 s6, $0x1  }
0xa: {  	s31 =	sand.u32 $0x3, s4;
	s9 =	sshrl.u32 s8, $0x1;
	s28 =	smul.u32 $0x14000, s11  }
.Ltmp0:
0xb: {  	s11 =	sand.u32 $0x380, s29;
	s8 =	ssub.s32 s8, s9;
	(pc) =	sbr.rel .LBB2_1-.Ltmp0, $4  }
0xc: {  	s12 =	sand.u32 $0x60, s10;
	s10 =	sshrl.u32 s10, $0x2;
	s9 =	sshll.u32 s31, $0x6  }
0xd: {  	s10 =	sand.u32 $0x1FFE0, s10;
	s30 =	sor.u32 s11, s28;
	s8 =	smax.u32 s8, $0x1  }
0xe: {  	s11 =	simm.s32 $0x1;
	s5 =	sadd.s32 s5, s10;
	s6 =	sshrl.u32 s30, $0x3  }
0xf: {  	v0 =	vimm.f32 $0.0e+00;
	v1 =	vimm.f32 $1.000000000e+00;
	s7 =	sadd.s32 s7, s10;
	s10 =	sadd.s32 $0x20, s12;
	s12 =	simm.s32 $0x9D00  }
.LBB2_12:
0x10: {  	s3 =	sadd.s32 $0x1, s3  }
0x11: {  	p1 =	sne.s32 s3, s8  }
.Ltmp1:
0x12: {  	s16 =	sadd.s32 s16, s6;
	(pc) =	sbr.rel @!p1 .LBB2_13-.Ltmp1, $4  }
0x13: {  	[hbm4b:s16+s13] =	stream.strided.scatter [tilespmem:s12], [sflag:$0x2], $0x2800, s14, s13, $0x38;
	[tilespmem:$0xC500] =	vst v63  }
0x14: {  	_ =	swait.ge [sflag:s15], $0x2800  }
0x15: {  	[sflag:s15] =	ssyncset.done $0x0  }
0x16: {  	[sflag:s15] =	ssyncadd.s32 $0xFFFFD800  }
.LBB2_1:
.Ltmp2:
0x17: {  	(pc) =	sbr.rel @!p0 .LBB2_2-.Ltmp2, $2  }
0x18: {  	_ =	sdelay $0x2  }
0x19: {  	s16 =	simm.s32 $0x0  }
0x1a: {  	[tilespmem:s16], [sflag:$0x1] =	stream.linear.gather [hbm4b:s7+s16], $0x9D00, $0x38;
	[tilespmem:$0xC500] =	vst v63  }
0x1b: {  	s17 =	simm.s32 $0x100;
	s16 =	simm.s32 $0x0  }
.LBB2_8:
0x1c: {  	p1 =	sne.s32 s17, $0x9F00;
	[tilespmem:s16+$0x9D30] =	vst v0;
	s18 =	smov.u32 s17;
	s17 =	sadd.s32 $0x100, s17  }
.Ltmp3:
0x1d: {  	[tilespmem:s16+$0x9D20] =	vst v0;
	(pc) =	sbr.rel @p1 .LBB2_8-.Ltmp3, $3  }
0x1e: {  	[tilespmem:s16+$0x9D00] =	vst v0  }
0x1f: {  	[tilespmem:s16+$0x9D10] =	vst v0;
	_ =	sdelay $0x1  }
0x20: {  	s16 =	sshra.s32 s18, $0x2  }
0x21: {  	[tilespmem:s16+$0x9D30] =	vst v0  }
0x22: {  	[tilespmem:s16+$0x9D20] =	vst v0  }
0x23: {  	[tilespmem:s16+$0x9D00] =	vst v0  }
0x24: {  	[tilespmem:s16+$0x9D10] =	vst v0  }
0x25: {  	_ =	swait.ge [sflag:s11], $0x9D00  }
0x26: {  	[sflag:s11] =	ssyncset.done $0x0  }
0x27: {  	s16 =	simm.s32 $0x0;
	s17 =	smov.u32 s10;
	[sflag:s11] =	ssyncadd.s32 $0xFFFF6300  }
.LBB2_10:
0x28: {  	s18 =	sadd.s32 $0xFFFFFFE0, s17;
	s19 =	sadd.s32 s16, s9  }
0x29: {  	s18 =	sand.u32 $0x60, s18;
	s20 =	sand.u32 $0x1FF00, s19  }
0x2a: {  	s18 =	sor.u32 s18, s20  }
0x2b: {  	v2 =	vld [tilespmem:s18+$0x80];
	_ =	sdelay $0x5  }
0x2c: {  	s26 =	sadd.s32 $0xFFFFFFF0, s17;
	s28 =	sadd.s32 $0x20, s19  }
0x2d: {  	s20 =	sand.u32 $0x1FF00, s28;
	s18 =	sand.u32 $0x70, s26  }
0x2e: {  	s18 =	sor.u32 s18, s20;
	[tilespmem:v2+s12+$0x0] =	vst.idx.msk $0xffff, v1  }
0x2f: {  	v2 =	vld [tilespmem:s18+$0x80];
	_ =	sdelay $0x5  }
0x30: {  	s29 =	sadd.s32 $0x40, s19  }
0x31: {  	s30 =	sand.u32 $0x60, s17;
	s18 =	sand.u32 $0x1FF00, s29  }
0x32: {  	s18 =	sor.u32 s30, s18;
	[tilespmem:v2+s12+$0x0] =	vst.idx.msk $0xffff, v1  }
0x33: {  	v2 =	vld [tilespmem:s18+$0x80];
	_ =	sdelay $0x5  }
0x34: {  	s31 =	sadd.s32 $0x10, s17;
	s19 =	sadd.s32 $0x60, s19  }
0x35: {  	s19 =	sand.u32 $0x1FF00, s19;
	s18 =	sand.u32 $0x70, s31  }
0x36: {  	s18 =	sor.u32 s18, s19;
	[tilespmem:v2+s12+$0x0] =	vst.idx.msk $0xffff, v1  }
0x37: {  	v2 =	vld [tilespmem:s18+$0x80];
	_ =	sdelay $0x2  }
0x38: {  	p1 =	sne.s32 s16, $0x9B80  }
.Ltmp4:
0x39: {  	_ = 	snop;
	(pc) =	sbr.rel @p1 .LBB2_10-.Ltmp4, $2  }
0x3a: {  	_ =	sdelay $0x2  }
0x3b: {  	s17 =	sadd.s32 $0x40, s17;
	s16 =	sadd.s32 $0x80, s16;
	[tilespmem:v2+s12+$0x0] =	vst.idx.msk $0xffff, v1  }
.Ltmp5:
0x3c: {  	(pc) =	sbr.rel .LBB2_12-.Ltmp5, $2  }
0x3d: {  	_ =	sdelay $0x2  }
0x3e: {  	s16 =	smov.u32 s2  }
.LBB2_2:
0x3f: {  	[tilespmem:s16], [sflag:$0x1] =	stream.linear.gather [hbm4b:s5+s16], $0x9D00, $0x38;
	[tilespmem:$0xC500] =	vst v63  }
0x40: {  	s17 =	simm.s32 $0x100;
	s16 =	simm.s32 $0x0  }
.LBB2_3:
0x41: {  	p1 =	sne.s32 s17, $0x9F00;
	[tilespmem:s16+$0x9D30] =	vst v0;
	s18 =	smov.u32 s17;
	s17 =	sadd.s32 $0x100, s17  }
.Ltmp6:
0x42: {  	[tilespmem:s16+$0x9D20] =	vst v0;
	(pc) =	sbr.rel @p1 .LBB2_3-.Ltmp6, $3  }
0x43: {  	[tilespmem:s16+$0x9D00] =	vst v0  }
0x44: {  	[tilespmem:s16+$0x9D10] =	vst v0;
	_ =	sdelay $0x1  }
0x45: {  	s16 =	sshra.s32 s18, $0x2  }
0x46: {  	[tilespmem:s16+$0x9D30] =	vst v0  }
0x47: {  	[tilespmem:s16+$0x9D20] =	vst v0  }
0x48: {  	[tilespmem:s16+$0x9D00] =	vst v0  }
0x49: {  	[tilespmem:s16+$0x9D10] =	vst v0  }
0x4a: {  	_ =	swait.ge [sflag:s11], $0x9D00  }
0x4b: {  	[sflag:s11] =	ssyncset.done $0x0  }
0x4c: {  	s16 =	simm.s32 $0x0;
	s17 =	smov.u32 s10;
	[sflag:s11] =	ssyncadd.s32 $0xFFFF6300  }
.LBB2_5:
0x4d: {  	s18 =	sadd.s32 $0xFFFFFFE0, s17;
	s19 =	sadd.s32 s16, s9  }
0x4e: {  	s18 =	sand.u32 $0x60, s18;
	s20 =	sand.u32 $0x1FF00, s19  }
0x4f: {  	s18 =	sor.u32 s18, s20  }
0x50: {  	v2 =	vld [tilespmem:s18+$0x80];
	_ =	sdelay $0x5  }
0x51: {  	s26 =	sadd.s32 $0xFFFFFFF0, s17;
	s28 =	sadd.s32 $0x20, s19  }
0x52: {  	s20 =	sand.u32 $0x1FF00, s28;
	s18 =	sand.u32 $0x70, s26  }
0x53: {  	s18 =	sor.u32 s18, s20;
	[tilespmem:v2+s12+$0x0] =	vst.idx.msk $0xffff, v1  }
0x54: {  	v2 =	vld [tilespmem:s18+$0x80];
	_ =	sdelay $0x5  }
0x55: {  	s29 =	sadd.s32 $0x40, s19  }
0x56: {  	s30 =	sand.u32 $0x60, s17;
	s18 =	sand.u32 $0x1FF00, s29  }
0x57: {  	s18 =	sor.u32 s30, s18;
	[tilespmem:v2+s12+$0x0] =	vst.idx.msk $0xffff, v1  }
0x58: {  	v2 =	vld [tilespmem:s18+$0x80];
	_ =	sdelay $0x5  }
0x59: {  	s31 =	sadd.s32 $0x10, s17;
	s19 =	sadd.s32 $0x60, s19  }
0x5a: {  	s19 =	sand.u32 $0x1FF00, s19;
	s18 =	sand.u32 $0x70, s31  }
0x5b: {  	s18 =	sor.u32 s18, s19;
	[tilespmem:v2+s12+$0x0] =	vst.idx.msk $0xffff, v1  }
0x5c: {  	v2 =	vld [tilespmem:s18+$0x80];
	_ =	sdelay $0x2  }
0x5d: {  	p1 =	seq.s32 s16, $0x9B80  }
.Ltmp7:
0x5e: {  	_ = 	snop;
	(pc) =	sbr.rel @!p1 .LBB2_5-.Ltmp7, $2  }
0x5f: {  	_ =	sdelay $0x2  }
0x60: {  	s17 =	sadd.s32 $0x40, s17;
	s16 =	sadd.s32 $0x80, s16;
	[tilespmem:v2+s12+$0x0] =	vst.idx.msk $0xffff, v1  }
.Ltmp8:
0x61: {  	(pc) =	sbr.rel .LBB2_12-.Ltmp8, $2  }
0x62: {  	_ =	sdelay $0x2  }
0x63: {  	s16 =	smov.u32 s1  }
.LBB2_13:
0x64: {  	_ =	sfence.sel $0x180000  }
0x65: {  	[bflag:$0x0] =	sbarrier.arrive $0xFFFF  }
0x66: {  	p0 =	sne.s32 s4, $0x0;
	_ =	strace $0x90000047  }
0x67: {  	s0 =	sadd.s32 @!p0 $0x100000, s0;
	[bflag:$0x2] =	sbarrier.arrive $0xFFFF  }
0x68: {  	[sflag:s0] =	ssyncadd.tile.s32 @!p0 $0x1;
	_ =	shalt  }
.Lfunc_end2:
_tile_overlayer_lowered:
.L_overlay_start_2:
0x69: {  	(tag) =	ssettag $0x2  }
0x6a: {  	s0 =	rddreg [dreg:$0x0];
	s2 =	stileid.u32  }
0x6b: {  	s1 =	rddreg [dreg:$0x1];
	p0 =	sne.s32 s2, $0x0  }
0x6c: {  	s3 =	rddreg [dreg:$0x2];
	[bflag:$0x3] =	sbarrier.arrive $0xFFFF;
	s2 =	simm.s32 @!p0 $0x1C02  }
0x6d: {  	[timem:s3], [sflag:s2] =	dma.local @!p0 [hbm:s0], s1  }
0x6e: {  	s0 =	simm.s32 @!p0 $0x2  }
0x6f: {  	_ =	swait.ge @!p0 [sflag:s0], s1  }
0x70: {  	s1 =	ssub.s32 @!p0 $0x0, s1;
	[sflag:s0] =	ssyncset.done @!p0 $0x0  }
0x71: {  	[sflag:s0] =	ssyncadd.s32 @!p0 s1  }
0x72: {  	[bflag:$0x3] =	sbarrier.arrive $0xFFFF  }
0x73: {  	_ =	shalt  }

</sc_bundles>
